<compile_context>
chip_gen: v7x
topology: tpu7x:2x2x1
jax: 0.10.2.dev20260603
libtpu: 0.0.44.dev20260713+nightly
codegen_flags: <defaults>
</compile_context>

<pallas_src>
import functools

import jax
import jax.numpy as jnp
from jax import lax
from jax.experimental import pallas as pl
from jax.experimental.pallas import tpu as pltpu
from jax.experimental.pallas import tpu_sc as plsc

_C = 64
_D = 128
_NC = 2
_NS = 16
_NW = _NC * _NS
_BF = 320
_G = 16
_NBUF = 2


def _back_body(h0_ref, h1_ref, h2_ref, ws0_ref, wa0_ref, ws1_ref, wa1_ref,
               out_ref):
    ws0 = ws0_ref[...]
    wa0 = wa0_ref[...]
    h1 = h1_ref[...]
    h2 = h2_ref[...]
    m2 = jnp.mean(h2.reshape(16 * _C, 16, _D), axis=1)
    out1 = jnp.maximum(
        jnp.dot(h1, ws0, preferred_element_type=jnp.float32)
        + jnp.dot(m2, wa0, preferred_element_type=jnp.float32), 0.0)
    b = jnp.mean(out1.reshape(_C, 16, _D), axis=1)
    a = jnp.mean(h1.reshape(_C, 16, _D), axis=1)
    out0 = jnp.maximum(
        jnp.dot(h0_ref[...], ws0, preferred_element_type=jnp.float32)
        + jnp.dot(a, wa0, preferred_element_type=jnp.float32), 0.0)
    out_ref[...] = (
        jnp.dot(out0, ws1_ref[...], preferred_element_type=jnp.float32)
        + jnp.dot(b, wa1_ref[...], preferred_element_type=jnp.float32))


def _front_body(h0_ref, h1_ref, m2_ref, ws0_ref, wa0_ref, ws1_ref, wa1_ref,
                out_ref):
    ws0 = ws0_ref[...]
    wa0 = wa0_ref[...]
    h1 = h1_ref[...]
    out1 = jnp.maximum(
        jnp.dot(h1, ws0, preferred_element_type=jnp.float32)
        + jnp.dot(m2_ref[...], wa0, preferred_element_type=jnp.float32), 0.0)
    b = jnp.mean(out1.reshape(_C, 16, _D), axis=1)
    a = jnp.mean(h1.reshape(_C, 16, _D), axis=1)
    out0 = jnp.maximum(
        jnp.dot(h0_ref[...], ws0, preferred_element_type=jnp.float32)
        + jnp.dot(a, wa0, preferred_element_type=jnp.float32), 0.0)
    out_ref[...] = (
        jnp.dot(out0, ws1_ref[...], preferred_element_type=jnp.float32)
        + jnp.dot(b, wa1_ref[...], preferred_element_type=jnp.float32))


def _sc_mean16(h2f, s_out):
    per_w = s_out // _NW
    n_chunks = per_w // _G
    assert per_w * _NW == s_out and n_chunks * _G == per_w
    assert n_chunks >= 2 * _NBUF
    rows = 16 * _G
    mesh = plsc.VectorSubcoreMesh(core_axis_name="c", subcore_axis_name="s")

    @functools.partial(
        pl.kernel,
        out_type=jax.ShapeDtypeStruct((s_out, _D), jnp.float32),
        mesh=mesh,
        scratch_types=[
            pltpu.VMEM_SHARED((_NBUF, _NS, rows, _D), jnp.float32),
            pltpu.VMEM((_NBUF, _G, _D), jnp.float32),
            pltpu.SemaphoreType.DMA,
            pltpu.SemaphoreType.DMA,
        ],
        compiler_params=pltpu.CompilerParams(use_tc_tiling_on_sc=True),
    )
    def k(h2_hbm, out_hbm, inbuf, outbuf, insem, outsem):
        sid = lax.axis_index("s")
        wid = sid * _NC + lax.axis_index("c")
        out_base = wid * per_w
        in_base = out_base * 16

        def dma_in(c, slot):
            return pltpu.make_async_copy(
                h2_hbm.at[pl.ds(in_base + c * rows, rows)],
                inbuf.at[slot, sid], insem)

        def dma_out(c, slot):
            return pltpu.make_async_copy(
                outbuf.at[slot],
                out_hbm.at[pl.ds(out_base + c * _G, _G)], outsem)

        for c0 in range(_NBUF - 1):
            dma_in(c0, c0).start()

        def body(c, carry):
            slot = lax.rem(c, _NBUF)
            nslot = lax.rem(c + _NBUF - 1, _NBUF)

            @pl.when(c + _NBUF - 1 < n_chunks)
            def _():
                dma_in(c + _NBUF - 1, nslot).start()

            @pl.when(c >= _NBUF)
            def _():
                dma_out(c - _NBUF, slot).wait()

            dma_in(c, slot).wait()
            dma_out(c, slot).start()
            return carry

        lax.fori_loop(0, n_chunks, body, 0)
        for c0 in range(n_chunks - _NBUF, n_chunks):
            dma_out(c0, c0 % _NBUF).wait()

    return k(h2f)


def kernel(h0, h1, h2, W_self0, W_agg0, W_self1, W_agg1):
    B = h0.shape[0]
    bf, bb = _BF, B - _BF
    off = bf // _C
    w_spec = pl.BlockSpec((_D, _D), lambda i: (0, 0))

    m2f = _sc_mean16(h2, 16 * bf)

    out_b = pl.pallas_call(
        _back_body,
        grid=(bb // _C,),
        in_specs=[
            pl.BlockSpec((_C, _D), lambda i: (i + off, 0)),
            pl.BlockSpec((16 * _C, _D), lambda i: (i + off, 0)),
            pl.BlockSpec((256 * _C, _D), lambda i: (i + off, 0)),
            w_spec, w_spec, w_spec, w_spec,
        ],
        out_specs=pl.BlockSpec((_C, _D), lambda i: (i, 0)),
        out_shape=jax.ShapeDtypeStruct((bb, _D), jnp.float32),
    )(h0, h1, h2, W_self0, W_agg0, W_self1, W_agg1)

    out_f = pl.pallas_call(
        _front_body,
        grid=(bf // _C,),
        in_specs=[
            pl.BlockSpec((_C, _D), lambda i: (i, 0)),
            pl.BlockSpec((16 * _C, _D), lambda i: (i, 0)),
            pl.BlockSpec((16 * _C, _D), lambda i: (i, 0)),
            w_spec, w_spec, w_spec, w_spec,
        ],
        out_specs=pl.BlockSpec((_C, _D), lambda i: (i, 0)),
        out_shape=jax.ShapeDtypeStruct((bf, _D), jnp.float32),
    )(h0, h1, m2f, W_self0, W_agg0, W_self1, W_agg1)

    return jnp.concatenate([out_f, out_b], axis=0)

# --- scband reference (transcript-rebuilt; emitter-appended) ---
"""Pipeline reference for scband-graph-sage-12841952215464 (READ-ONLY COPY).

The authoritative reference and input builder live on the scoring server;
editing this copy changes nothing except your own understanding.
"""

import jax, jax.numpy as jnp
import numpy as np


def setup_inputs(seed: int = 0) -> dict:
    key = jax.random.key(seed)
    ks = jax.random.split(key, 7)
    d = 128
    B = 2048
    n1, n2 = 16, 16
    return {
        "h0": jax.random.normal(ks[0], (B, d), dtype=jnp.float32),
        "h1": jax.random.normal(ks[1], (B * n1, d), dtype=jnp.float32),
        "h2": jax.random.normal(ks[2], (B * n1 * n2, d), dtype=jnp.float32),
        "W_self0": jax.random.normal(ks[3], (d, d), dtype=jnp.float32) * 0.05,
        "W_agg0": jax.random.normal(ks[4], (d, d), dtype=jnp.float32) * 0.05,
        "W_self1": jax.random.normal(ks[5], (d, d), dtype=jnp.float32) * 0.05,
        "W_agg1": jax.random.normal(ks[6], (d, d), dtype=jnp.float32) * 0.05,
    }


def _sage_gcn(src_node_features, neighbor_node_features, W_self, W_agg, use_relu):
    # NeighborAggregator: mean over sampled neighbors, then linear projection
    aggr = jnp.mean(neighbor_node_features, axis=1)
    neighbor_hidden = jnp.matmul(aggr, W_agg)
    # self branch: linear projection of source node features
    self_hidden = jnp.matmul(src_node_features, W_self)
    # aggr_hidden_method == "sum"
    hidden = self_hidden + neighbor_hidden
    if use_relu:
        hidden = jax.nn.relu(hidden)
    return hidden


def reference(h0, h1, h2, W_self0, W_agg0, W_self1, W_agg1):
    num_neighbors_list = [16, 16]
    num_layers = 2
    layer_params = [
        (W_self0, W_agg0, True),   # SageGCN(input_dim, hidden_dim[0]), activation=relu
        (W_self1, W_agg1, False),  # SageGCN(hidden_dim[-2], hidden_dim[-1], activation=None)
    ]
    hidden = [h0, h1, h2]
    for layer in range(num_layers):
        W_self, W_agg, use_relu = layer_params[layer]
        next_hidden = []
        for hop in range(num_layers - layer):
            src_node_features = hidden[hop]
            src_node_num = src_node_features.shape[0]
            neighbor_node_features = hidden[hop + 1].reshape(
                src_node_num, num_neighbors_list[hop], -1
            )
            h = _sage_gcn(src_node_features, neighbor_node_features, W_self, W_agg, use_relu)
            next_hidden.append(h)
        hidden = next_hidden
    return hidden[0]

if __name__ == "__main__":
    import jax
    _d = setup_inputs()
    print(jax.jit(kernel)(*tuple(_d.values())))

</pallas_src>

<mosaic_0001>
#map = affine_map<(d0, d1) -> (0, 0)>
module attributes {stable_mosaic.version = 14 : i64} {
  func.func @k(%arg0: i32, %arg1: i32, %arg2: memref<524288x128xf32, #tpu.memory_space<hbm>>, %arg3: memref<5120x128xf32, #tpu.memory_space<hbm>>, %arg4: memref<2x16x256x128xf32, #tpu.memory_space<vmem_shared>>, %arg5: memref<2x16x128xf32, #tpu.memory_space<vmem>>, %arg6: memref<!tpu.dma_semaphore, #tpu.memory_space<semaphore_mem>>, %arg7: memref<!tpu.dma_semaphore, #tpu.memory_space<semaphore_mem>>) attributes {dimension_semantics = [#tpu.dimension_semantics<core_parallel>, #tpu.dimension_semantics<subcore_parallel>], iteration_bounds = array<i64: 2, 16>, scalar_prefetch = 0 : i64, scratch_operands = 4 : i64, tpu.core_type = #tpu.core_type<sc_vector_subcore>, window_params = [{transform_indices = #map}, {transform_indices = #map}]} {
    %mul3A = arith.constant 2 : i32
    %mul3A_0 = arith.muli %arg1, %mul3A : i32
    %add3A = arith.addi %mul3A_0, %arg0 : i32
    %mul3A_1 = arith.constant 160 : i32
    %mul3A_2 = arith.muli %add3A, %mul3A_1 : i32
    %mul3A_3 = arith.constant 16 : i32
    %mul3A_4 = arith.muli %mul3A_2, %mul3A_3 : i32
    %add3A_5 = arith.constant 0 : i32
    %add3A_6 = arith.addi %mul3A_4, %add3A_5 : i32
    %dma_start3A = arith.constant 0 : i32
    %dma_start3A_7 = arith.constant 0 : i32
    %dma_start3A_8 = arith.constant 0 : i32
    %dma_start3A_9 = tpu.memref_slice %arg4[%dma_start3A, %arg1, %dma_start3A_7, %dma_start3A_8] : memref<2x16x256x128xf32, #tpu.memory_space<vmem_shared>> -> memref<1x1x256x128xf32, #tpu.memory_space<vmem_shared>>
    %dma_start3A_10 = tpu.memref_squeeze %dma_start3A_9 : memref<1x1x256x128xf32, #tpu.memory_space<vmem_shared>> -> memref<256x128xf32, #tpu.memory_space<vmem_shared>>
    %dma_start3A_11 = arith.constant 0 : i32
    %dma_start3A_12 = tpu.memref_slice %arg2[%add3A_6, %dma_start3A_11] : memref<524288x128xf32, #tpu.memory_space<hbm>> -> memref<256x128xf32, #tpu.memory_space<hbm>>
    tpu.enqueue_dma source(%dma_start3A_12 : memref<256x128xf32, #tpu.memory_space<hbm>>) target(%dma_start3A_10 : memref<256x128xf32, #tpu.memory_space<vmem_shared>>) target_semaphore(%arg6 : memref<!tpu.dma_semaphore, #tpu.memory_space<semaphore_mem>>)
    %scan3A = arith.constant 0 : i32
    %scan3A_13 = arith.constant 0 : i32
    %scan3A_14 = arith.constant 10 : i32
    %scan3A_15 = arith.addi %scan3A_13, %scan3A_14 : i32
    %scan3A_16 = arith.constant 1 : i32
    scf.for %scan3A_47 = %scan3A_13 to %scan3A_15 step %scan3A_16  : i32 {
      %rem3A = arith.constant 2 : i32
      %rem3A_48 = arith.remsi %scan3A_47, %rem3A : i32
      %add3A_49 = arith.constant 2 : i32
      %add3A_50 = arith.addi %scan3A_47, %add3A_49 : i32
      %sub3A = arith.constant 1 : i32
      %sub3A_51 = arith.subi %add3A_50, %sub3A : i32
      %rem3A_52 = arith.constant 2 : i32
      %rem3A_53 = arith.remsi %sub3A_51, %rem3A_52 : i32
      %add3A_54 = arith.constant 2 : i32
      %add3A_55 = arith.addi %scan3A_47, %add3A_54 : i32
      %sub3A_56 = arith.constant 1 : i32
      %sub3A_57 = arith.subi %add3A_55, %sub3A_56 : i32
      %lt3A = arith.constant 10 : i32
      %lt3A_58 = arith.cmpi slt, %sub3A_57, %lt3A : i32
      %convert_element_type3A = arith.extui %lt3A_58 : i1 to i32
      %cond3A = arith.constant 0 : i32
      %cond3A_59 = arith.cmpi ne, %convert_element_type3A, %cond3A : i32
      scf.if %cond3A_59 {
        %add3A_88 = arith.constant 2 : i32
        %add3A_89 = arith.addi %scan3A_47, %add3A_88 : i32
        %sub3A_90 = arith.constant 1 : i32
        %sub3A_91 = arith.subi %add3A_89, %sub3A_90 : i32
        %mul3A_92 = arith.constant 256 : i32
        %mul3A_93 = arith.muli %sub3A_91, %mul3A_92 : i32
        %add3A_94 = arith.addi %mul3A_4, %mul3A_93 : i32
        %dma_start3A_95 = arith.constant 0 : i32
        %dma_start3A_96 = arith.constant 0 : i32
        %dma_start3A_97 = tpu.memref_slice %arg4[%rem3A_53, %arg1, %dma_start3A_95, %dma_start3A_96] : memref<2x16x256x128xf32, #tpu.memory_space<vmem_shared>> -> memref<1x1x256x128xf32, #tpu.memory_space<vmem_shared>>
        %dma_start3A_98 = tpu.memref_squeeze %dma_start3A_97 : memref<1x1x256x128xf32, #tpu.memory_space<vmem_shared>> -> memref<256x128xf32, #tpu.memory_space<vmem_shared>>
        %dma_start3A_99 = arith.constant 0 : i32
        %dma_start3A_100 = tpu.memref_slice %arg2[%add3A_94, %dma_start3A_99] : memref<524288x128xf32, #tpu.memory_space<hbm>> -> memref<256x128xf32, #tpu.memory_space<hbm>>
        tpu.enqueue_dma source(%dma_start3A_100 : memref<256x128xf32, #tpu.memory_space<hbm>>) target(%dma_start3A_98 : memref<256x128xf32, #tpu.memory_space<vmem_shared>>) target_semaphore(%arg6 : memref<!tpu.dma_semaphore, #tpu.memory_space<semaphore_mem>>)
      } else {
      }
      %ge3A = arith.constant 2 : i32
      %ge3A_60 = arith.cmpi sge, %scan3A_47, %ge3A : i32
      %convert_element_type3A_61 = arith.extui %ge3A_60 : i1 to i32
      %cond3A_62 = arith.constant 0 : i32
      %cond3A_63 = arith.cmpi ne, %convert_element_type3A_61, %cond3A_62 : i32
      scf.if %cond3A_63 {
        %sub3A_88 = arith.constant 2 : i32
        %sub3A_89 = arith.subi %scan3A_47, %sub3A_88 : i32
        %mul3A_90 = arith.constant 16 : i32
        %mul3A_91 = arith.muli %sub3A_89, %mul3A_90 : i32
        %add3A_92 = arith.addi %mul3A_2, %mul3A_91 : i32
        %dma_wait3A_93 = arith.constant 0 : i32
        %dma_wait3A_94 = arith.constant 0 : i32
        %dma_wait3A_95 = tpu.memref_slice %arg5[%rem3A_48, %dma_wait3A_93, %dma_wait3A_94] : memref<2x16x128xf32, #tpu.memory_space<vmem>> -> memref<1x16x128xf32, #tpu.memory_space<vmem>>
        %dma_wait3A_96 = tpu.memref_squeeze %dma_wait3A_95 : memref<1x16x128xf32, #tpu.memory_space<vmem>> -> memref<16x128xf32, #tpu.memory_space<vmem>>
        %dma_wait3A_97 = arith.constant 0 : i32
        %dma_wait3A_98 = tpu.memref_slice %arg3[%add3A_92, %dma_wait3A_97] : memref<5120x128xf32, #tpu.memory_space<hbm>> -> memref<16x128xf32, #tpu.memory_space<hbm>>
        %dma_wait3A_99 = arith.constant 0 : i32
        %dma_wait3A_100 = tpu.memref_slice %arg3[%add3A_92, %dma_wait3A_99] : memref<5120x128xf32, #tpu.memory_space<hbm>> -> memref<16x128xf32, #tpu.memory_space<hbm>>
        %dma_wait3A_101 = arith.constant 0 : i32
        %dma_wait3A_102 = arith.constant 0 : i32
        %dma_wait3A_103 = tpu.memref_slice %arg5[%rem3A_48, %dma_wait3A_101, %dma_wait3A_102] : memref<2x16x128xf32, #tpu.memory_space<vmem>> -> memref<1x16x128xf32, #tpu.memory_space<vmem>>
        %dma_wait3A_104 = tpu.memref_squeeze %dma_wait3A_103 : memref<1x16x128xf32, #tpu.memory_space<vmem>> -> memref<16x128xf32, #tpu.memory_space<vmem>>
        tpu.wait_dma2 semaphore(%arg7 : memref<!tpu.dma_semaphore, #tpu.memory_space<semaphore_mem>>) src(%dma_wait3A_104 : memref<16x128xf32, #tpu.memory_space<vmem>>) dst(%dma_wait3A_100 : memref<16x128xf32, #tpu.memory_space<hbm>>)
      } else {
      }
      %mul3A_64 = arith.constant 256 : i32
      %mul3A_65 = arith.muli %scan3A_47, %mul3A_64 : i32
      %add3A_66 = arith.addi %mul3A_4, %mul3A_65 : i32
      %dma_wait3A_67 = arith.constant 0 : i32
      %dma_wait3A_68 = arith.constant 0 : i32
      %dma_wait3A_69 = tpu.memref_slice %arg4[%rem3A_48, %arg1, %dma_wait3A_67, %dma_wait3A_68] : memref<2x16x256x128xf32, #tpu.memory_space<vmem_shared>> -> memref<1x1x256x128xf32, #tpu.memory_space<vmem_shared>>
      %dma_wait3A_70 = tpu.memref_squeeze %dma_wait3A_69 : memref<1x1x256x128xf32, #tpu.memory_space<vmem_shared>> -> memref<256x128xf32, #tpu.memory_space<vmem_shared>>
      %dma_wait3A_71 = arith.constant 0 : i32
      %dma_wait3A_72 = tpu.memref_slice %arg2[%add3A_66, %dma_wait3A_71] : memref<524288x128xf32, #tpu.memory_space<hbm>> -> memref<256x128xf32, #tpu.memory_space<hbm>>
      tpu.wait_dma2 semaphore(%arg6 : memref<!tpu.dma_semaphore, #tpu.memory_space<semaphore_mem>>) src(%dma_wait3A_72 : memref<256x128xf32, #tpu.memory_space<hbm>>) dst(%dma_wait3A_70 : memref<256x128xf32, #tpu.memory_space<vmem_shared>>)
      %mul3A_73 = arith.constant 16 : i32
      %mul3A_74 = arith.muli %scan3A_47, %mul3A_73 : i32
      %add3A_75 = arith.addi %mul3A_2, %mul3A_74 : i32
      %dma_start3A_76 = arith.constant 0 : i32
      %dma_start3A_77 = arith.constant 0 : i32
      %dma_start3A_78 = tpu.memref_slice %arg5[%rem3A_48, %dma_start3A_76, %dma_start3A_77] : memref<2x16x128xf32, #tpu.memory_space<vmem>> -> memref<1x16x128xf32, #tpu.memory_space<vmem>>
      %dma_start3A_79 = tpu.memref_squeeze %dma_start3A_78 : memref<1x16x128xf32, #tpu.memory_space<vmem>> -> memref<16x128xf32, #tpu.memory_space<vmem>>
      %dma_start3A_80 = arith.constant 0 : i32
      %dma_start3A_81 = tpu.memref_slice %arg3[%add3A_75, %dma_start3A_80] : memref<5120x128xf32, #tpu.memory_space<hbm>> -> memref<16x128xf32, #tpu.memory_space<hbm>>
      %dma_start3A_82 = arith.constant 0 : i32
      %dma_start3A_83 = tpu.memref_slice %arg3[%add3A_75, %dma_start3A_82] : memref<5120x128xf32, #tpu.memory_space<hbm>> -> memref<16x128xf32, #tpu.memory_space<hbm>>
      %dma_start3A_84 = arith.constant 0 : i32
      %dma_start3A_85 = arith.constant 0 : i32
      %dma_start3A_86 = tpu.memref_slice %arg5[%rem3A_48, %dma_start3A_84, %dma_start3A_85] : memref<2x16x128xf32, #tpu.memory_space<vmem>> -> memref<1x16x128xf32, #tpu.memory_space<vmem>>
      %dma_start3A_87 = tpu.memref_squeeze %dma_start3A_86 : memref<1x16x128xf32, #tpu.memory_space<vmem>> -> memref<16x128xf32, #tpu.memory_space<vmem>>
      tpu.enqueue_dma source(%dma_start3A_87 : memref<16x128xf32, #tpu.memory_space<vmem>>) target(%dma_start3A_83 : memref<16x128xf32, #tpu.memory_space<hbm>>) target_semaphore(%arg7 : memref<!tpu.dma_semaphore, #tpu.memory_space<semaphore_mem>>)
    }
    %scan3A_17 = arith.constant 10 : i32
    %add3A_18 = arith.constant 128 : i32
    %add3A_19 = arith.addi %mul3A_2, %add3A_18 : i32
    %dma_wait3A = arith.constant 0 : i32
    %dma_wait3A_20 = arith.constant 0 : i32
    %dma_wait3A_21 = arith.constant 0 : i32
    %dma_wait3A_22 = tpu.memref_slice %arg5[%dma_wait3A, %dma_wait3A_20, %dma_wait3A_21] : memref<2x16x128xf32, #tpu.memory_space<vmem>> -> memref<1x16x128xf32, #tpu.memory_space<vmem>>
    %dma_wait3A_23 = tpu.memref_squeeze %dma_wait3A_22 : memref<1x16x128xf32, #tpu.memory_space<vmem>> -> memref<16x128xf32, #tpu.memory_space<vmem>>
    %dma_wait3A_24 = arith.constant 0 : i32
    %dma_wait3A_25 = tpu.memref_slice %arg3[%add3A_19, %dma_wait3A_24] : memref<5120x128xf32, #tpu.memory_space<hbm>> -> memref<16x128xf32, #tpu.memory_space<hbm>>
    %dma_wait3A_26 = arith.constant 0 : i32
    %dma_wait3A_27 = tpu.memref_slice %arg3[%add3A_19, %dma_wait3A_26] : memref<5120x128xf32, #tpu.memory_space<hbm>> -> memref<16x128xf32, #tpu.memory_space<hbm>>
    %dma_wait3A_28 = arith.constant 0 : i32
    %dma_wait3A_29 = arith.constant 0 : i32
    %dma_wait3A_30 = tpu.memref_slice %arg5[%dma_wait3A, %dma_wait3A_28, %dma_wait3A_29] : memref<2x16x128xf32, #tpu.memory_space<vmem>> -> memref<1x16x128xf32, #tpu.memory_space<vmem>>
    %dma_wait3A_31 = tpu.memref_squeeze %dma_wait3A_30 : memref<1x16x128xf32, #tpu.memory_space<vmem>> -> memref<16x128xf32, #tpu.memory_space<vmem>>
    tpu.wait_dma2 semaphore(%arg7 : memref<!tpu.dma_semaphore, #tpu.memory_space<semaphore_mem>>) src(%dma_wait3A_31 : memref<16x128xf32, #tpu.memory_space<vmem>>) dst(%dma_wait3A_27 : memref<16x128xf32, #tpu.memory_space<hbm>>)
    %add3A_32 = arith.constant 144 : i32
    %add3A_33 = arith.addi %mul3A_2, %add3A_32 : i32
    %dma_wait3A_34 = arith.constant 1 : i32
    %dma_wait3A_35 = arith.constant 0 : i32
    %dma_wait3A_36 = arith.constant 0 : i32
    %dma_wait3A_37 = tpu.memref_slice %arg5[%dma_wait3A_34, %dma_wait3A_35, %dma_wait3A_36] : memref<2x16x128xf32, #tpu.memory_space<vmem>> -> memref<1x16x128xf32, #tpu.memory_space<vmem>>
    %dma_wait3A_38 = tpu.memref_squeeze %dma_wait3A_37 : memref<1x16x128xf32, #tpu.memory_space<vmem>> -> memref<16x128xf32, #tpu.memory_space<vmem>>
    %dma_wait3A_39 = arith.constant 0 : i32
    %dma_wait3A_40 = tpu.memref_slice %arg3[%add3A_33, %dma_wait3A_39] : memref<5120x128xf32, #tpu.memory_space<hbm>> -> memref<16x128xf32, #tpu.memory_space<hbm>>
    %dma_wait3A_41 = arith.constant 0 : i32
    %dma_wait3A_42 = tpu.memref_slice %arg3[%add3A_33, %dma_wait3A_41] : memref<5120x128xf32, #tpu.memory_space<hbm>> -> memref<16x128xf32, #tpu.memory_space<hbm>>
    %dma_wait3A_43 = arith.constant 0 : i32
    %dma_wait3A_44 = arith.constant 0 : i32
    %dma_wait3A_45 = tpu.memref_slice %arg5[%dma_wait3A_34, %dma_wait3A_43, %dma_wait3A_44] : memref<2x16x128xf32, #tpu.memory_space<vmem>> -> memref<1x16x128xf32, #tpu.memory_space<vmem>>
    %dma_wait3A_46 = tpu.memref_squeeze %dma_wait3A_45 : memref<1x16x128xf32, #tpu.memory_space<vmem>> -> memref<16x128xf32, #tpu.memory_space<vmem>>
    tpu.wait_dma2 semaphore(%arg7 : memref<!tpu.dma_semaphore, #tpu.memory_space<semaphore_mem>>) src(%dma_wait3A_46 : memref<16x128xf32, #tpu.memory_space<vmem>>) dst(%dma_wait3A_42 : memref<16x128xf32, #tpu.memory_space<hbm>>)
    return
  }
}

module attributes {stable_mosaic.version = 14 : i64} {
  func.func @_back_body(%arg0: i32, %arg1: memref<64x128xf32, #tpu.memory_space<vmem>>, %arg2: memref<1024x128xf32, #tpu.memory_space<vmem>>, %arg3: memref<16384x128xf32, #tpu.memory_space<vmem>>, %arg4: memref<128x128xf32, #tpu.memory_space<vmem>>, %arg5: memref<128x128xf32, #tpu.memory_space<vmem>>, %arg6: memref<128x128xf32, #tpu.memory_space<vmem>>, %arg7: memref<128x128xf32, #tpu.memory_space<vmem>>, %arg8: memref<64x128xf32, #tpu.memory_space<vmem>>) attributes {dimension_semantics = [#tpu.dimension_semantics<arbitrary>], iteration_bounds = array<i64: 27>, scalar_prefetch = 0 : i64, scratch_operands = 0 : i64, tpu.core_type = #tpu.core_type<tc>, window_params = [{transform_indices = @transform_0, window_bounds = array<i64: 64, 128>}, {transform_indices = @transform_1, window_bounds = array<i64: 1024, 128>}, {transform_indices = @transform_2, window_bounds = array<i64: 16384, 128>}, {pipeline_mode = #tpu.pipeline_mode<synchronous>, transform_indices = @transform_3, window_bounds = array<i64: 128, 128>}, {pipeline_mode = #tpu.pipeline_mode<synchronous>, transform_indices = @transform_4, window_bounds = array<i64: 128, 128>}, {pipeline_mode = #tpu.pipeline_mode<synchronous>, transform_indices = @transform_5, window_bounds = array<i64: 128, 128>}, {pipeline_mode = #tpu.pipeline_mode<synchronous>, transform_indices = @transform_6, window_bounds = array<i64: 128, 128>}, {transform_indices = @transform_7, window_bounds = array<i64: 64, 128>}]} {
    %get3A = arith.constant 0 : index
    %get3A_0 = arith.constant 0 : index
    %get3A_1 = vector.load %arg4[%get3A, %get3A_0] : memref<128x128xf32, #tpu.memory_space<vmem>>, vector<128x128xf32>
    %get3A_2 = arith.constant 0 : index
    %get3A_3 = arith.constant 0 : index
    %get3A_4 = vector.load %arg5[%get3A_2, %get3A_3] : memref<128x128xf32, #tpu.memory_space<vmem>>, vector<128x128xf32>
    %get3A_5 = arith.constant 0 : index
    %get3A_6 = arith.constant 0 : index
    %get3A_7 = vector.load %arg2[%get3A_5, %get3A_6] : memref<1024x128xf32, #tpu.memory_space<vmem>>, vector<1024x128xf32>
    %get3A_8 = arith.constant 0 : index
    %get3A_9 = arith.constant 0 : index
    %get3A_10 = vector.load %arg3[%get3A_8, %get3A_9] : memref<16384x128xf32, #tpu.memory_space<vmem>>, vector<16384x128xf32>
    %reshape3A = vector.shape_cast %get3A_10 : vector<16384x128xf32> to vector<1024x16x128xf32>
    %reduce_sum3A = arith.constant dense<0.000000e+00> : vector<1024x128xf32>
    %reduce_sum3A_11 = vector.multi_reduction <add>, %reshape3A, %reduce_sum3A [1] : vector<1024x16x128xf32> to vector<1024x128xf32>
    %div3A = arith.constant 1.600000e+01 : f32
    %div3A_12 = vector.broadcast %div3A : f32 to vector<1024x128xf32>
    %div3A_13 = arith.divf %reduce_sum3A_11, %div3A_12 : vector<1024x128xf32>
    %dot_general3A = arith.constant dense<0.000000e+00> : vector<1024x128xf32>
    %dot_general3A_14 = tpu.matmul %get3A_7, %get3A_1, %dot_general3A {dimension_numbers = #tpu.dot_dimension_numbers<[1], [0], [0], [1], [0, 0, 1, 1], [], []>, transpose_lhs_hint = false} : vector<1024x128xf32>, vector<128x128xf32>, vector<1024x128xf32> -> vector<1024x128xf32>
    %dot_general3A_15 = arith.constant dense<0.000000e+00> : vector<1024x128xf32>
    %dot_general3A_16 = tpu.matmul %div3A_13, %get3A_4, %dot_general3A_15 {dimension_numbers = #tpu.dot_dimension_numbers<[1], [0], [0], [1], [0, 0, 1, 1], [], []>, transpose_lhs_hint = false} : vector<1024x128xf32>, vector<128x128xf32>, vector<1024x128xf32> -> vector<1024x128xf32>
    %add3A = arith.addf %dot_general3A_14, %dot_general3A_16 : vector<1024x128xf32>
    %max3A = arith.constant 0.000000e+00 : f32
    %max3A_17 = vector.broadcast %max3A : f32 to vector<1024x128xf32>
    %max3A_18 = arith.maximumf %add3A, %max3A_17 : vector<1024x128xf32>
    %reshape3A_19 = vector.shape_cast %max3A_18 : vector<1024x128xf32> to vector<64x16x128xf32>
    %reduce_sum3A_20 = arith.constant dense<0.000000e+00> : vector<64x128xf32>
    %reduce_sum3A_21 = vector.multi_reduction <add>, %reshape3A_19, %reduce_sum3A_20 [1] : vector<64x16x128xf32> to vector<64x128xf32>
    %div3A_22 = arith.constant 1.600000e+01 : f32
    %div3A_23 = vector.broadcast %div3A_22 : f32 to vector<64x128xf32>
    %div3A_24 = arith.divf %reduce_sum3A_21, %div3A_23 : vector<64x128xf32>
    %reshape3A_25 = vector.shape_cast %get3A_7 : vector<1024x128xf32> to vector<64x16x128xf32>
    %reduce_sum3A_26 = arith.constant dense<0.000000e+00> : vector<64x128xf32>
    %reduce_sum3A_27 = vector.multi_reduction <add>, %reshape3A_25, %reduce_sum3A_26 [1] : vector<64x16x128xf32> to vector<64x128xf32>
    %div3A_28 = arith.constant 1.600000e+01 : f32
    %div3A_29 = vector.broadcast %div3A_28 : f32 to vector<64x128xf32>
    %div3A_30 = arith.divf %reduce_sum3A_27, %div3A_29 : vector<64x128xf32>
    %get3A_31 = arith.constant 0 : index
    %get3A_32 = arith.constant 0 : index
    %get3A_33 = vector.load %arg1[%get3A_31, %get3A_32] : memref<64x128xf32, #tpu.memory_space<vmem>>, vector<64x128xf32>
    %dot_general3A_34 = arith.constant dense<0.000000e+00> : vector<64x128xf32>
    %dot_general3A_35 = tpu.matmul %get3A_33, %get3A_1, %dot_general3A_34 {dimension_numbers = #tpu.dot_dimension_numbers<[1], [0], [0], [1], [0, 0, 1, 1], [], []>, transpose_lhs_hint = false} : vector<64x128xf32>, vector<128x128xf32>, vector<64x128xf32> -> vector<64x128xf32>
    %dot_general3A_36 = arith.constant dense<0.000000e+00> : vector<64x128xf32>
    %dot_general3A_37 = tpu.matmul %div3A_30, %get3A_4, %dot_general3A_36 {dimension_numbers = #tpu.dot_dimension_numbers<[1], [0], [0], [1], [0, 0, 1, 1], [], []>, transpose_lhs_hint = false} : vector<64x128xf32>, vector<128x128xf32>, vector<64x128xf32> -> vector<64x128xf32>
    %add3A_38 = arith.addf %dot_general3A_35, %dot_general3A_37 : vector<64x128xf32>
    %max3A_39 = arith.constant 0.000000e+00 : f32
    %max3A_40 = vector.broadcast %max3A_39 : f32 to vector<64x128xf32>
    %max3A_41 = arith.maximumf %add3A_38, %max3A_40 : vector<64x128xf32>
    %get3A_42 = arith.constant 0 : index
    %get3A_43 = arith.constant 0 : index
    %get3A_44 = vector.load %arg6[%get3A_42, %get3A_43] : memref<128x128xf32, #tpu.memory_space<vmem>>, vector<128x128xf32>
    %dot_general3A_45 = arith.constant dense<0.000000e+00> : vector<64x128xf32>
    %dot_general3A_46 = tpu.matmul %max3A_41, %get3A_44, %dot_general3A_45 {dimension_numbers = #tpu.dot_dimension_numbers<[1], [0], [0], [1], [0, 0, 1, 1], [], []>, transpose_lhs_hint = false} : vector<64x128xf32>, vector<128x128xf32>, vector<64x128xf32> -> vector<64x128xf32>
    %get3A_47 = arith.constant 0 : index
    %get3A_48 = arith.constant 0 : index
    %get3A_49 = vector.load %arg7[%get3A_47, %get3A_48] : memref<128x128xf32, #tpu.memory_space<vmem>>, vector<128x128xf32>
    %dot_general3A_50 = arith.constant dense<0.000000e+00> : vector<64x128xf32>
    %dot_general3A_51 = tpu.matmul %div3A_24, %get3A_49, %dot_general3A_50 {dimension_numbers = #tpu.dot_dimension_numbers<[1], [0], [0], [1], [0, 0, 1, 1], [], []>, transpose_lhs_hint = false} : vector<64x128xf32>, vector<128x128xf32>, vector<64x128xf32> -> vector<64x128xf32>
    %add3A_52 = arith.addf %dot_general3A_46, %dot_general3A_51 : vector<64x128xf32>
    %swap3A = arith.constant 0 : index
    %swap3A_53 = arith.constant 0 : index
    %swap3A_54 = vector.load %arg8[%swap3A, %swap3A_53] : memref<64x128xf32, #tpu.memory_space<vmem>>, vector<64x128xf32>
    tpu.vector_store %arg8[%swap3A, %swap3A_53], %add3A_52 {strides = array<i32>} : memref<64x128xf32, #tpu.memory_space<vmem>>, vector<64x128xf32>,
    return
  }
  func.func @transform_0(%arg0: i32) -> (i32, i32) {
    %add3A = arith.constant 5 : i32
    %add3A_0 = arith.addi %arg0, %add3A : i32
    %c0_i32 = arith.constant 0 : i32
    %c0_i32_1 = arith.constant 0 : i32
    return %add3A_0, %c0_i32 : i32, i32
  }
  func.func @transform_1(%arg0: i32) -> (i32, i32) {
    %add3A = arith.constant 5 : i32
    %add3A_0 = arith.addi %arg0, %add3A : i32
    %c0_i32 = arith.constant 0 : i32
    %c0_i32_1 = arith.constant 0 : i32
    return %add3A_0, %c0_i32 : i32, i32
  }
  func.func @transform_2(%arg0: i32) -> (i32, i32) {
    %add3A = arith.constant 5 : i32
    %add3A_0 = arith.addi %arg0, %add3A : i32
    %c0_i32 = arith.constant 0 : i32
    %c0_i32_1 = arith.constant 0 : i32
    return %add3A_0, %c0_i32 : i32, i32
  }
  func.func @transform_3(%arg0: i32) -> (i32, i32) {
    %c0_i32 = arith.constant 0 : i32
    %c0_i32_0 = arith.constant 0 : i32
    %c0_i32_1 = arith.constant 0 : i32
    return %c0_i32, %c0_i32_0 : i32, i32
  }
  func.func @transform_4(%arg0: i32) -> (i32, i32) {
    %c0_i32 = arith.constant 0 : i32
    %c0_i32_0 = arith.constant 0 : i32
    %c0_i32_1 = arith.constant 0 : i32
    return %c0_i32, %c0_i32_0 : i32, i32
  }
  func.func @transform_5(%arg0: i32) -> (i32, i32) {
    %c0_i32 = arith.constant 0 : i32
    %c0_i32_0 = arith.constant 0 : i32
    %c0_i32_1 = arith.constant 0 : i32
    return %c0_i32, %c0_i32_0 : i32, i32
  }
  func.func @transform_6(%arg0: i32) -> (i32, i32) {
    %c0_i32 = arith.constant 0 : i32
    %c0_i32_0 = arith.constant 0 : i32
    %c0_i32_1 = arith.constant 0 : i32
    return %c0_i32, %c0_i32_0 : i32, i32
  }
  func.func @transform_7(%arg0: i32) -> (i32, i32) {
    %c0_i32 = arith.constant 0 : i32
    %c0_i32_0 = arith.constant 0 : i32
    return %arg0, %c0_i32 : i32, i32
  }
}

module attributes {stable_mosaic.version = 14 : i64} {
  func.func @_front_body(%arg0: i32, %arg1: memref<64x128xf32, #tpu.memory_space<vmem>>, %arg2: memref<1024x128xf32, #tpu.memory_space<vmem>>, %arg3: memref<1024x128xf32, #tpu.memory_space<vmem>>, %arg4: memref<128x128xf32, #tpu.memory_space<vmem>>, %arg5: memref<128x128xf32, #tpu.memory_space<vmem>>, %arg6: memref<128x128xf32, #tpu.memory_space<vmem>>, %arg7: memref<128x128xf32, #tpu.memory_space<vmem>>, %arg8: memref<64x128xf32, #tpu.memory_space<vmem>>) attributes {dimension_semantics = [#tpu.dimension_semantics<arbitrary>], iteration_bounds = array<i64: 5>, scalar_prefetch = 0 : i64, scratch_operands = 0 : i64, tpu.core_type = #tpu.core_type<tc>, window_params = [{transform_indices = @transform_0, window_bounds = array<i64: 64, 128>}, {transform_indices = @transform_1, window_bounds = array<i64: 1024, 128>}, {transform_indices = @transform_2, window_bounds = array<i64: 1024, 128>}, {pipeline_mode = #tpu.pipeline_mode<synchronous>, transform_indices = @transform_3, window_bounds = array<i64: 128, 128>}, {pipeline_mode = #tpu.pipeline_mode<synchronous>, transform_indices = @transform_4, window_bounds = array<i64: 128, 128>}, {pipeline_mode = #tpu.pipeline_mode<synchronous>, transform_indices = @transform_5, window_bounds = array<i64: 128, 128>}, {pipeline_mode = #tpu.pipeline_mode<synchronous>, transform_indices = @transform_6, window_bounds = array<i64: 128, 128>}, {transform_indices = @transform_7, window_bounds = array<i64: 64, 128>}]} {
    %get3A = arith.constant 0 : index
    %get3A_0 = arith.constant 0 : index
    %get3A_1 = vector.load %arg4[%get3A, %get3A_0] : memref<128x128xf32, #tpu.memory_space<vmem>>, vector<128x128xf32>
    %get3A_2 = arith.constant 0 : index
    %get3A_3 = arith.constant 0 : index
    %get3A_4 = vector.load %arg5[%get3A_2, %get3A_3] : memref<128x128xf32, #tpu.memory_space<vmem>>, vector<128x128xf32>
    %get3A_5 = arith.constant 0 : index
    %get3A_6 = arith.constant 0 : index
    %get3A_7 = vector.load %arg2[%get3A_5, %get3A_6] : memref<1024x128xf32, #tpu.memory_space<vmem>>, vector<1024x128xf32>
    %dot_general3A = arith.constant dense<0.000000e+00> : vector<1024x128xf32>
    %dot_general3A_8 = tpu.matmul %get3A_7, %get3A_1, %dot_general3A {dimension_numbers = #tpu.dot_dimension_numbers<[1], [0], [0], [1], [0, 0, 1, 1], [], []>, transpose_lhs_hint = false} : vector<1024x128xf32>, vector<128x128xf32>, vector<1024x128xf32> -> vector<1024x128xf32>
    %get3A_9 = arith.constant 0 : index
    %get3A_10 = arith.constant 0 : index
    %get3A_11 = vector.load %arg3[%get3A_9, %get3A_10] : memref<1024x128xf32, #tpu.memory_space<vmem>>, vector<1024x128xf32>
    %dot_general3A_12 = arith.constant dense<0.000000e+00> : vector<1024x128xf32>
    %dot_general3A_13 = tpu.matmul %get3A_11, %get3A_4, %dot_general3A_12 {dimension_numbers = #tpu.dot_dimension_numbers<[1], [0], [0], [1], [0, 0, 1, 1], [], []>, transpose_lhs_hint = false} : vector<1024x128xf32>, vector<128x128xf32>, vector<1024x128xf32> -> vector<1024x128xf32>
    %add3A = arith.addf %dot_general3A_8, %dot_general3A_13 : vector<1024x128xf32>
    %max3A = arith.constant 0.000000e+00 : f32
    %max3A_14 = vector.broadcast %max3A : f32 to vector<1024x128xf32>
    %max3A_15 = arith.maximumf %add3A, %max3A_14 : vector<1024x128xf32>
    %reshape3A = vector.shape_cast %max3A_15 : vector<1024x128xf32> to vector<64x16x128xf32>
    %reduce_sum3A = arith.constant dense<0.000000e+00> : vector<64x128xf32>
    %reduce_sum3A_16 = vector.multi_reduction <add>, %reshape3A, %reduce_sum3A [1] : vector<64x16x128xf32> to vector<64x128xf32>
    %div3A = arith.constant 1.600000e+01 : f32
    %div3A_17 = vector.broadcast %div3A : f32 to vector<64x128xf32>
    %div3A_18 = arith.divf %reduce_sum3A_16, %div3A_17 : vector<64x128xf32>
    %reshape3A_19 = vector.shape_cast %get3A_7 : vector<1024x128xf32> to vector<64x16x128xf32>
    %reduce_sum3A_20 = arith.constant dense<0.000000e+00> : vector<64x128xf32>
    %reduce_sum3A_21 = vector.multi_reduction <add>, %reshape3A_19, %reduce_sum3A_20 [1] : vector<64x16x128xf32> to vector<64x128xf32>
    %div3A_22 = arith.constant 1.600000e+01 : f32
    %div3A_23 = vector.broadcast %div3A_22 : f32 to vector<64x128xf32>
    %div3A_24 = arith.divf %reduce_sum3A_21, %div3A_23 : vector<64x128xf32>
    %get3A_25 = arith.constant 0 : index
    %get3A_26 = arith.constant 0 : index
    %get3A_27 = vector.load %arg1[%get3A_25, %get3A_26] : memref<64x128xf32, #tpu.memory_space<vmem>>, vector<64x128xf32>
    %dot_general3A_28 = arith.constant dense<0.000000e+00> : vector<64x128xf32>
    %dot_general3A_29 = tpu.matmul %get3A_27, %get3A_1, %dot_general3A_28 {dimension_numbers = #tpu.dot_dimension_numbers<[1], [0], [0], [1], [0, 0, 1, 1], [], []>, transpose_lhs_hint = false} : vector<64x128xf32>, vector<128x128xf32>, vector<64x128xf32> -> vector<64x128xf32>
    %dot_general3A_30 = arith.constant dense<0.000000e+00> : vector<64x128xf32>
    %dot_general3A_31 = tpu.matmul %div3A_24, %get3A_4, %dot_general3A_30 {dimension_numbers = #tpu.dot_dimension_numbers<[1], [0], [0], [1], [0, 0, 1, 1], [], []>, transpose_lhs_hint = false} : vector<64x128xf32>, vector<128x128xf32>, vector<64x128xf32> -> vector<64x128xf32>
    %add3A_32 = arith.addf %dot_general3A_29, %dot_general3A_31 : vector<64x128xf32>
    %max3A_33 = arith.constant 0.000000e+00 : f32
    %max3A_34 = vector.broadcast %max3A_33 : f32 to vector<64x128xf32>
    %max3A_35 = arith.maximumf %add3A_32, %max3A_34 : vector<64x128xf32>
    %get3A_36 = arith.constant 0 : index
    %get3A_37 = arith.constant 0 : index
    %get3A_38 = vector.load %arg6[%get3A_36, %get3A_37] : memref<128x128xf32, #tpu.memory_space<vmem>>, vector<128x128xf32>
    %dot_general3A_39 = arith.constant dense<0.000000e+00> : vector<64x128xf32>
    %dot_general3A_40 = tpu.matmul %max3A_35, %get3A_38, %dot_general3A_39 {dimension_numbers = #tpu.dot_dimension_numbers<[1], [0], [0], [1], [0, 0, 1, 1], [], []>, transpose_lhs_hint = false} : vector<64x128xf32>, vector<128x128xf32>, vector<64x128xf32> -> vector<64x128xf32>
    %get3A_41 = arith.constant 0 : index
    %get3A_42 = arith.constant 0 : index
    %get3A_43 = vector.load %arg7[%get3A_41, %get3A_42] : memref<128x128xf32, #tpu.memory_space<vmem>>, vector<128x128xf32>
    %dot_general3A_44 = arith.constant dense<0.000000e+00> : vector<64x128xf32>
    %dot_general3A_45 = tpu.matmul %div3A_18, %get3A_43, %dot_general3A_44 {dimension_numbers = #tpu.dot_dimension_numbers<[1], [0], [0], [1], [0, 0, 1, 1], [], []>, transpose_lhs_hint = false} : vector<64x128xf32>, vector<128x128xf32>, vector<64x128xf32> -> vector<64x128xf32>
    %add3A_46 = arith.addf %dot_general3A_40, %dot_general3A_45 : vector<64x128xf32>
    %swap3A = arith.constant 0 : index
    %swap3A_47 = arith.constant 0 : index
    %swap3A_48 = vector.load %arg8[%swap3A, %swap3A_47] : memref<64x128xf32, #tpu.memory_space<vmem>>, vector<64x128xf32>
    tpu.vector_store %arg8[%swap3A, %swap3A_47], %add3A_46 {strides = array<i32>} : memref<64x128xf32, #tpu.memory_space<vmem>>, vector<64x128xf32>,
    return
  }
  func.func @transform_0(%arg0: i32) -> (i32, i32) {
    %c0_i32 = arith.constant 0 : i32
    %c0_i32_0 = arith.constant 0 : i32
    return %arg0, %c0_i32 : i32, i32
  }
  func.func @transform_1(%arg0: i32) -> (i32, i32) {
    %c0_i32 = arith.constant 0 : i32
    %c0_i32_0 = arith.constant 0 : i32
    return %arg0, %c0_i32 : i32, i32
  }
  func.func @transform_2(%arg0: i32) -> (i32, i32) {
    %c0_i32 = arith.constant 0 : i32
    %c0_i32_0 = arith.constant 0 : i32
    return %arg0, %c0_i32 : i32, i32
  }
  func.func @transform_3(%arg0: i32) -> (i32, i32) {
    %c0_i32 = arith.constant 0 : i32
    %c0_i32_0 = arith.constant 0 : i32
    %c0_i32_1 = arith.constant 0 : i32
    return %c0_i32, %c0_i32_0 : i32, i32
  }
  func.func @transform_4(%arg0: i32) -> (i32, i32) {
    %c0_i32 = arith.constant 0 : i32
    %c0_i32_0 = arith.constant 0 : i32
    %c0_i32_1 = arith.constant 0 : i32
    return %c0_i32, %c0_i32_0 : i32, i32
  }
  func.func @transform_5(%arg0: i32) -> (i32, i32) {
    %c0_i32 = arith.constant 0 : i32
    %c0_i32_0 = arith.constant 0 : i32
    %c0_i32_1 = arith.constant 0 : i32
    return %c0_i32, %c0_i32_0 : i32, i32
  }
  func.func @transform_6(%arg0: i32) -> (i32, i32) {
    %c0_i32 = arith.constant 0 : i32
    %c0_i32_0 = arith.constant 0 : i32
    %c0_i32_1 = arith.constant 0 : i32
    return %c0_i32, %c0_i32_0 : i32, i32
  }
  func.func @transform_7(%arg0: i32) -> (i32, i32) {
    %c0_i32 = arith.constant 0 : i32
    %c0_i32_0 = arith.constant 0 : i32
    return %arg0, %c0_i32 : i32, i32
  }
}

</mosaic_0001>

<sc_bundles>
// kernel: kernel.5.cloned.1.call-start
scs
__scs_entry_jumppad:
0x0: {  	(pc) =	sbr.rel $0x88, $3  }
0x1: {  	(tag) =	ssettag $0x0;
	lr =	simm.s32 $0x1  }
0x2: {  	[smem:$0x3F9A] =	sst lr;
	_ =	strace $0xD0000000  }
0x3: {  	_ = 	snop  }
0x4: {  	_ = 	snop  }
0x5: {  	_ = 	snop  }
0x6: {  	_ = 	snop  }
0x7: {  	_ = 	snop  }
__scs_overlays_trampoline_lowered:
0x8: {  	[smem:$0x3FA9] =	sst s0  }
0x9: {  	[smem:$0x3FAA] =	sst s1  }
0xa: {  	[smem:$0x3FAB] =	sst s2  }
0xb: {  	[smem:$0x3FAC] =	sst s3  }
0xc: {  	[smem:$0x3FAD] =	sst s4  }
0xd: {  	[smem:$0x3FAE] =	sst s5  }
0xe: {  	[smem:$0x3FAF] =	sst s6  }
0xf: {  	[smem:$0x3FB0] =	sst s7  }
0x10: {  	[smem:$0x3FB1] =	sst s8  }
0x11: {  	[smem:$0x3FB2] =	sst s9;
	s0 =	simm.s32 @!p0 $0x0  }
0x12: {  	s1 =	sld [smem:$0x3F98];
	s0 =	simm.s32 @p0 $0x1  }
0x13: {  	[smem:$0x3FB3] =	sst s0;
	s0 =	simm.s32 @!p1 $0x0  }
0x14: {  	s2 =	sld [smem:$0x3F97];
	s0 =	simm.s32 @p1 $0x1  }
0x15: {  	[smem:$0x3FB4] =	sst s0;
	s0 =	simm.s32 @!p2 $0x0  }
0x16: {  	s3 =	sld [smem:$0x3FDB];
	s0 =	simm.s32 @p2 $0x1  }
0x17: {  	s4 =	simm.s32 $0x1BF5;
	[smem:$0x3FB6] =	sst s0  }
0x18: {  	s0 =	sld [smem:$0x3F99];
	_ =	swait.ge [sflag:s4], $0x0  }
0x19: {  	s7 =	sld [smem:$0x3F9A]  }
0x1a: {  	s8 =	sadd.s32 $0xFFFFE003, lr  }
0x1b: {  	s9 =	sadd.s32 $0xFFFFFEF7, lr;
	s5 =	simm.s32 $0xFFFFFFFF;
	p2 =	slt.u32 s8, $0xFFFFF086  }
0x1c: {  	p1 =	slt.u32 s9, $0xF7A;
	s5 =	simm.s32 @!p2 $0x0  }
0x1d: {  	s5 =	simm.s32 @p1 $0x1;
	p0 =	seq.s32 s7, s2  }
0x1e: {  	s7 =	smul.u32 @!p0 $0xF7A, s2;
	p2 =	seq.s32 @!p0 s5, $0x0  }
0x1f: {  	s9 =	smul.u32 $0xF7A, s1;
	s8 =	simm.s32 @!p0 $0x1BF5;
	p2 =	por !p2, p0  }
0x20: {  	[sflag:s8] =	ssyncset.s32 @!p0 $0xFFFFF086;
	s6 =	sadd.s32 @!p0 s3, s7;
	s7 =	simm.s32 @!p0 $0x108  }
0x21: {  	s3 =	sadd.s32 s3, s9;
	s6 =	sadd.s32 @!p0 $0x88, s6;
	s7 =	simm.s32 @p2 $0x1082  }
0x22: {  	[simem:s7], [sflag:s8] =	dma.local @!p0 [hbm:s6], $0xF7A  }
0x23: {  	s9 =	sor.u32 $0xD0000000, s2;
	s6 =	simm.s32 $0x108;
	_ =	swait.ge @!p0 [sflag:s8], $0x0  }
0x24: {  	s3 =	sadd.s32 $0x88, s3;
	s6 =	simm.s32 @!p1 $0x1082;
	[sflag:s4] =	ssyncset.s32 $0xFFFFF086  }
0x25: {  	[simem:s6], [sflag:s4] =	dma.local [hbm:s3], $0xF7A  }
0x26: {  	[smem:$0x3F9A] =	sst s1;
	(tag) =	ssettag s2;
	_ =	strace s9  }
0x27: {  	s1 =	sld [smem:$0x3FAA]  }
0x28: {  	s2 =	sld [smem:$0x3FAB]  }
0x29: {  	s4 =	sld [smem:$0x3FAD]  }
0x2a: {  	p0 =	seq.s32 s5, $0x0;
	s5 =	sld [smem:$0x3FAE]  }
0x2b: {  	s6 =	sld [smem:$0x3FAF]  }
0x2c: {  	s7 =	sld [smem:$0x3FB0]  }
0x2d: {  	s3 =	simm.s32 $0x108;
	s8 =	sld [smem:$0x3FB1]  }
0x2e: {  	s3 =	simm.s32 @!p0 $0x1082;
	s9 =	sld [smem:$0x3FB2]  }
0x2f: {  	lr =	sadd.s32 s0, s3;
	s0 =	sld [smem:$0x3FA9]  }
0x30: {  	s3 =	sld [smem:$0x3FAC]  }
0x31: {  	[smem:$0x3FB5] =	sst s10  }
0x32: {  	s10 =	sld [smem:$0x3FB3];
	_ =	sdelay $0x3  }
0x33: {  	p0 =	seq.s32 s10, $0x1;
	s10 =	sld [smem:$0x3FB5];
	_ =	sdelay $0x3  }
0x34: {  	[smem:$0x3FB5] =	sst s10  }
0x35: {  	s10 =	sld [smem:$0x3FB4];
	_ =	sdelay $0x3  }
0x36: {  	p1 =	seq.s32 s10, $0x1;
	s10 =	sld [smem:$0x3FB5];
	_ =	sdelay $0x3  }
0x37: {  	[smem:$0x3FB5] =	sst s10  }
0x38: {  	s10 =	sld [smem:$0x3FB6]  }
0x39: {  	_ = 	snop;
	(pc) =	sbr.ind lr, $3  }
0x3a: {  	_ = 	snop  }
0x3b: {  	_ = 	snop  }
0x3c: {  	p2 =	seq.s32 s10, $0x1;
	s10 =	sld [smem:$0x3FB5]  }
0x3d: {  	_ =	shalt  }
0x3e: {  	_ =	shalt  }
0x3f: {  	_ =	shalt  }
0x40: {  	_ =	shalt  }
0x41: {  	_ =	shalt  }
0x42: {  	_ =	shalt  }
0x43: {  	_ =	shalt  }
0x44: {  	_ =	shalt  }
0x45: {  	_ =	shalt  }
0x46: {  	_ =	shalt  }
0x47: {  	_ =	shalt  }
0x48: {  	_ =	shalt  }
0x49: {  	_ =	shalt  }
0x4a: {  	_ =	shalt  }
0x4b: {  	_ =	shalt  }
0x4c: {  	_ =	shalt  }
0x4d: {  	_ =	shalt  }
0x4e: {  	_ =	shalt  }
0x4f: {  	_ =	shalt  }
0x50: {  	_ =	shalt  }
0x51: {  	_ =	shalt  }
0x52: {  	_ =	shalt  }
0x53: {  	_ =	shalt  }
0x54: {  	_ =	shalt  }
0x55: {  	_ =	shalt  }
0x56: {  	_ =	shalt  }
0x57: {  	_ =	shalt  }
0x58: {  	_ =	shalt  }
0x59: {  	_ =	shalt  }
0x5a: {  	_ =	shalt  }
0x5b: {  	_ =	shalt  }
0x5c: {  	_ =	shalt  }
0x5d: {  	_ =	shalt  }
0x5e: {  	_ =	shalt  }
0x5f: {  	_ =	shalt  }
0x60: {  	_ =	shalt  }
0x61: {  	_ =	shalt  }
0x62: {  	_ =	shalt  }
0x63: {  	_ =	shalt  }
0x64: {  	_ =	shalt  }
0x65: {  	_ =	shalt  }
0x66: {  	_ =	shalt  }
0x67: {  	_ =	shalt  }
0x68: {  	_ =	shalt  }
0x69: {  	_ =	shalt  }
0x6a: {  	_ =	shalt  }
0x6b: {  	_ =	shalt  }
0x6c: {  	_ =	shalt  }
0x6d: {  	_ =	shalt  }
0x6e: {  	_ =	shalt  }
0x6f: {  	_ =	shalt  }
0x70: {  	_ =	shalt  }
0x71: {  	_ =	shalt  }
0x72: {  	_ =	shalt  }
0x73: {  	_ =	shalt  }
0x74: {  	_ =	shalt  }
0x75: {  	_ =	shalt  }
0x76: {  	_ =	shalt  }
0x77: {  	_ =	shalt  }
0x78: {  	_ =	shalt  }
0x79: {  	_ =	shalt  }
0x7a: {  	_ =	shalt  }
0x7b: {  	_ =	shalt  }
0x7c: {  	_ =	shalt  }
0x7d: {  	_ =	shalt  }
0x7e: {  	_ =	shalt  }
0x7f: {  	_ =	shalt  }
0x80: {  	_ =	shalt  }
0x81: {  	_ =	shalt  }
0x82: {  	_ =	shalt  }
0x83: {  	_ =	shalt  }
0x84: {  	_ =	shalt  }
0x85: {  	_ =	shalt  }
0x86: {  	_ =	shalt  }
0x87: {  	_ =	shalt  }
.Lfunc_end0:
.L_simem_size_0:
called_computation_lowered:
.L_overlay_start_0:
0x88: {  	s2 =	sld [smem:$0x3FD9]  }
0x89: {  	s3 =	sld [smem:$0x3FFE];
	_ =	sdelay $0x1  }
0x8a: {  	s1 =	srdreg.scid  }
0x8b: {  	s0 =	sand.u32 $0x1, s1  }
0x8c: {  	s17 =	sshll.u32 s0, $0xA;
	s2 =	sadd.s32 s3, s2  }
0x8d: {  	s2 =	sadd.s32 s2, s17  }
0x8e: {  	[smem:$0x3FC1] =	sst s2  }
0x8f: {  	_ = 	snop  }
0x90: {  	s2 =	sld [smem:$0x3FC7];
	(tm) =	ssettm $0x1  }
0x91: {  	s18 =	sld [smem:$0x3FFB];
	_ =	sdelay $0x3  }
0x92: {  	_ =	strace s18  }
0x93: {  	s3 =	sld [smem:$0x3FFC];
	_ =	sdelay $0x3  }
0x94: {  	_ =	strace s3  }
0x95: {  	s3 =	sld [smem:$0x3FFD];
	_ =	sdelay $0x3  }
0x96: {  	_ =	strace s3  }
0x97: {  	_ =	strace $0x8FFFFFFF  }
0x98: {  	s19 =	sld [smem:$0x3FDB];
	_ =	sdelay $0x1  }
0x99: {  	s4 =	simm.s32 $_scs_section_size  }
0x9a: {  	s5 =	simm.s32 $_size__tile_overlayer_lowered;
	s6 =	simm.s32 $_tile_overlayer_lowered  }
0x9b: {  	s22 =	simm.s32 $0x1BFF;
	s21 =	sshll.u32 s6, $0x1;
	s3 =	sadd.s32 s4, s19  }
0x9c: {  	s7 =	simm.s32 $0x0;
	s20 =	sshll.u32 s5, $0x1;
	s5 =	sadd.s32 s21, s3  }
0x9d: {  	[timem:s7], [sflag:s22] =	dma.local [hbm:s5], s20  }
0x9e: {  	_ =	swait.ge [sflag:s22], s20  }
0x9f: {  	s4 =	ssub.s32 $0x0, s20;
	[sflag:s22] =	ssyncset.done $0x0  }
0xa0: {  	[sflag:s22] =	ssyncadd.s32 s4;
	_ =	sdelay $0x1  }
0xa1: {  	s23 =	simm.s32 $0x1B8B  }
0xa2: {  	_ =	swait.ge [sflag:s23], $0x1  }
0xa3: {  	[sflag:s23] =	ssyncset.done $0x0  }
0xa4: {  	s25 =	simm.s32 $0x1B8E;
	s24 =	sld [smem:$0x3FFE];
	[sflag:s23] =	ssyncadd.s32 $0xFFFFFFFF  }
0xa5: {  	s26 =	simm.s32 $execute0_lowered;
	[smem:$0x3FD2] =	sst s25  }
0xa6: {  	s5 =	sshll.u32 s26, $0x1;
	_ =	strace $0x80000046;
	[dreg:$0x1] =	wrdreg $0xFFFFFFFF  }
0xa7: {  	s28 =	simm.s32 $_size_execute0_lowered;
	s3 =	sadd.s32 s3, s5;
	[dreg:$0x0] =	wrdreg $0x0  }
0xa8: {  	s5 =	sshll.u32 s28, $0x1;
	[dreg:$0x2] =	wrdreg s3  }
0xa9: {  	[dreg:$0x3] =	wrdreg s5  }
0xaa: {  	[dreg:$0x4] =	wrdreg $0xC0  }
0xab: {  	_ =	task [dreg:s7], $0x5FFFF  }
0xac: {  	[dreg:$0x1] =	wrdreg $0xFFFFFFFF  }
0xad: {  	[dreg:$0x0] =	wrdreg $0x60  }
0xae: {  	[dreg:$0x2] =	wrdreg s2  }
0xaf: {  	[dreg:$0x3] =	wrdreg s24  }
0xb0: {  	[dreg:$0x4] =	wrdreg $0x0  }
0xb1: {  	[dreg:$0x5] =	wrdreg $0x9  }
0xb2: {  	_ =	task.clear_ibuf [dreg:s7], $0x6FFFF;
	_ =	strace $0x90000046  }
0xb3: {  	s29 =	simm.s32 $0x9;
	_ =	strace $0x80000048  }
0xb4: {  	_ =	swait.ge [sflag:s29], $0x1  }
0xb5: {  	[sflag:s29] =	ssyncadd.s32 $0xFFFFFFFF  }
0xb6: {  	_ =	strace $0x90000048  }
0xb7: {  	_ =	sfence  }
0xb8: {  	s30 =	sld [smem:$0x0];
	_ =	sdelay $0x2  }
0xb9: {  	s31 =	sshll.u32 s1, $0xD;
	s1 =	sshrl.u32 s1, $0x2  }
0xba: {  	s3 =	sand.u32 $0x4000, s31;
	s1 =	sadd.s32 s1, s30  }
0xbb: {  	s0 =	sor.u32 s3, s0;
	s1 =	sshll.u32 s1, $0x11  }
0xbc: {  	s0 =	sor.u32 s1, s0  }
0xbd: {  	s0 =	sadd.s32 $0x8F2B, s0  }
0xbe: {  	[sflag:s0] =	ssyncadd.remote.s32 $0x1  }
0xbf: {  	_ =	sfence.sel $0xFFFF  }
0xc0: {  	[dreg:$0x0] =	wrdreg $0xFFFFFFFF;
	(pc) =	sbr.abs _section_cstart, $3  }
0xc1: {  	[dreg:$0x1] =	wrdreg $0xFFFFFFFF  }
0xc2: {  	_ =	task.clear_ibuf [dreg:s7], $0x2FFFF;
	_ =	strace $0x9FFFFFFF  }
0xc3: {  	(tm) =	ssettm $0x7FFFFFFF  }
tec
execute0_lowered:
.L_overlay_start_1:
0x0: {  	(tag) =	ssettag $0x1  }
0x1: {  	s3 =	rddreg [dreg:$0x0];
	s1 =	srdreg.scid  }
0x2: {  	s0 =	stileid.u32;
	s8 =	rddreg [dreg:$0x1]  }
0x3: {  	s4 =	rddreg [dreg:$0x2];
	s29 =	sand.u32 $0x1, s1;
	s23 =	sshll.u32 s0, $0x1  }
0x4: {  	s2 =	simm.s32 $0x0;
	s1 =	rddreg [dreg:$0x3];
	s5 =	sor.u32 s29, s23  }
0x5: {  	[smem:$0x7FF] =	sst s2;
	s6 =	smul.u32 $0x5000, s5  }
0x6: {  	s24 =	sshll.u32 s0, $0xF;
	s26 =	sshll.u32 s0, $0x6;
	s7 =	smul.u32 $0xA000, s5  }
0x7: {  	_ =	strace $0x80000047;
	s10 =	sadd.s32 s24, s4;
	s5 =	smul.u32 $0x50000, s5  }
0x8: {  	s31 =	sadd.s32 $0x80000, s10;
	s9 =	sshrl.u32 s6, $0x3;
	s7 =	sadd.s32 s3, s7  }
0x9: {  	s25 =	sshrl.u32 s5, $0x3;
	s5 =	sshrl.u32 s31, $0x3;
	s6 =	simm.s32 $0x1  }
0xa: {  	[dreg:$0x4] =	wrdreg s7;
	s25 =	sadd.s32 s3, s25;
	s3 =	sor.u32 $0x1C01, s26  }
0xb: {  	s7 =	sshrl.u32 s10, $0x3;
	s11 =	rddreg [dreg:$0x4];
	s4 =	sadd.s32 $0x1000, s25  }
0xc: {  	[spmem:s7], [sflag:s3] =	dma.local [hbm:s11], $0x1000  }
0xd: {  	[spmem:s5], [sflag:s3] =	dma.local [hbm:s4], $0x1000  }
0xe: {  	_ =	swait.ge [sflag:s6], $0x1000  }
0xf: {  	s30 =	sadd.s32 s9, s8;
	s10 =	simm.s32 $0x10000;
	[sflag:s6] =	ssyncset.done $0x0  }
0x10: {  	s8 =	sadd.s32 $0x1400, s30;
	s9 =	sadd.s32 $0x2000, s25;
	[sflag:s6] =	ssyncadd.s32 $0xFFFFF000  }
0x11: {  	[hbm4b:s8+s2] =	stream.linear.scatter [tilespmem:s10], [sflag:$0x2], $0x800, $0x38;
	[tilespmem:$0x11000] =	vst v63  }
0x12: {  	[spmem:s7], [sflag:s3] =	dma.local [hbm:s9], $0x1000  }
0x13: {  	_ =	swait.ge [sflag:s6], $0x1000  }
0x14: {  	s14 =	simm.s32 $0x10800;
	s13 =	simm.s32 $0x2;
	[sflag:s6] =	ssyncset.done $0x0  }
0x15: {  	s12 =	sadd.s32 $0x3000, s25;
	s11 =	sadd.s32 $0x1500, s30;
	[sflag:s6] =	ssyncadd.s32 $0xFFFFF000  }
0x16: {  	[hbm4b:s11+s2] =	stream.linear.scatter [tilespmem:s14], [sflag:$0x2], $0x800, $0x38;
	[tilespmem:$0x11000] =	vst v63  }
0x17: {  	[spmem:s5], [sflag:s3] =	dma.local [hbm:s12], $0x1000  }
0x18: {  	_ =	swait.ge [sflag:s13], $0x800  }
0x19: {  	[sflag:s13] =	ssyncset.done $0x0  }
0x1a: {  	[sflag:s13] =	ssyncadd.s32 $0xFFFFF800  }
0x1b: {  	_ =	swait.ge [sflag:s6], $0x1000  }
0x1c: {  	[sflag:s6] =	ssyncset.done $0x0  }
0x1d: {  	s15 =	sadd.s32 $0x1600, s30;
	s16 =	sadd.s32 $0x4000, s25;
	[sflag:s6] =	ssyncadd.s32 $0xFFFFF000  }
0x1e: {  	[hbm4b:s15+s2] =	stream.linear.scatter [tilespmem:s10], [sflag:$0x2], $0x800, $0x38;
	[tilespmem:$0x11000] =	vst v63  }
0x1f: {  	[spmem:s7], [sflag:s3] =	dma.local [hbm:s16], $0x1000  }
0x20: {  	_ =	swait.ge [sflag:s13], $0x800  }
0x21: {  	[sflag:s13] =	ssyncset.done $0x0  }
0x22: {  	[sflag:s13] =	ssyncadd.s32 $0xFFFFF800  }
0x23: {  	_ =	swait.ge [sflag:s6], $0x1000  }
0x24: {  	[sflag:s6] =	ssyncset.done $0x0  }
0x25: {  	s17 =	sadd.s32 $0x1700, s30;
	s18 =	sadd.s32 $0x5000, s25;
	[sflag:s6] =	ssyncadd.s32 $0xFFFFF000  }
0x26: {  	[hbm4b:s17+s2] =	stream.linear.scatter [tilespmem:s14], [sflag:$0x2], $0x800, $0x38;
	[tilespmem:$0x11000] =	vst v63  }
0x27: {  	[spmem:s5], [sflag:s3] =	dma.local [hbm:s18], $0x1000  }
0x28: {  	_ =	swait.ge [sflag:s13], $0x800  }
0x29: {  	[sflag:s13] =	ssyncset.done $0x0  }
0x2a: {  	[sflag:s13] =	ssyncadd.s32 $0xFFFFF800  }
0x2b: {  	_ =	swait.ge [sflag:s6], $0x1000  }
0x2c: {  	[sflag:s6] =	ssyncset.done $0x0  }
0x2d: {  	s19 =	sadd.s32 $0x1800, s30;
	s20 =	sadd.s32 $0x6000, s25;
	[sflag:s6] =	ssyncadd.s32 $0xFFFFF000  }
0x2e: {  	[hbm4b:s19+s2] =	stream.linear.scatter [tilespmem:s10], [sflag:$0x2], $0x800, $0x38;
	[tilespmem:$0x11000] =	vst v63  }
0x2f: {  	[spmem:s7], [sflag:s3] =	dma.local [hbm:s20], $0x1000  }
0x30: {  	_ =	swait.ge [sflag:s13], $0x800  }
0x31: {  	[sflag:s13] =	ssyncset.done $0x0  }
0x32: {  	[sflag:s13] =	ssyncadd.s32 $0xFFFFF800  }
0x33: {  	_ =	swait.ge [sflag:s6], $0x1000  }
0x34: {  	[sflag:s6] =	ssyncset.done $0x0  }
0x35: {  	s21 =	sadd.s32 $0x1900, s30;
	s22 =	sadd.s32 $0x7000, s25;
	[sflag:s6] =	ssyncadd.s32 $0xFFFFF000  }
0x36: {  	[hbm4b:s21+s2] =	stream.linear.scatter [tilespmem:s14], [sflag:$0x2], $0x800, $0x38;
	[tilespmem:$0x11000] =	vst v63  }
0x37: {  	[spmem:s5], [sflag:s3] =	dma.local [hbm:s22], $0x1000  }
0x38: {  	_ =	swait.ge [sflag:s13], $0x800  }
0x39: {  	[sflag:s13] =	ssyncset.done $0x0  }
0x3a: {  	[sflag:s13] =	ssyncadd.s32 $0xFFFFF800  }
0x3b: {  	_ =	swait.ge [sflag:s6], $0x1000  }
0x3c: {  	[sflag:s6] =	ssyncset.done $0x0  }
0x3d: {  	s23 =	sadd.s32 $0x1A00, s30;
	s24 =	sadd.s32 $0x8000, s25;
	[sflag:s6] =	ssyncadd.s32 $0xFFFFF000  }
0x3e: {  	[hbm4b:s23+s2] =	stream.linear.scatter [tilespmem:s10], [sflag:$0x2], $0x800, $0x38;
	[tilespmem:$0x11000] =	vst v63  }
0x3f: {  	[spmem:s7], [sflag:s3] =	dma.local [hbm:s24], $0x1000  }
0x40: {  	_ =	swait.ge [sflag:s13], $0x800  }
0x41: {  	[sflag:s13] =	ssyncset.done $0x0  }
0x42: {  	[sflag:s13] =	ssyncadd.s32 $0xFFFFF800  }
0x43: {  	_ =	swait.ge [sflag:s6], $0x1000  }
0x44: {  	[sflag:s6] =	ssyncset.done $0x0  }
0x45: {  	s25 =	sadd.s32 $0x9000, s25;
	s26 =	sadd.s32 $0x1B00, s30;
	[sflag:s6] =	ssyncadd.s32 $0xFFFFF000  }
0x46: {  	[hbm4b:s26+s2] =	stream.linear.scatter [tilespmem:s14], [sflag:$0x2], $0x800, $0x38;
	[tilespmem:$0x11000] =	vst v63  }
0x47: {  	[spmem:s5], [sflag:s3] =	dma.local [hbm:s25], $0x1000  }
0x48: {  	_ =	swait.ge [sflag:s13], $0x800  }
0x49: {  	[sflag:s13] =	ssyncset.done $0x0  }
0x4a: {  	[sflag:s13] =	ssyncadd.s32 $0xFFFFF800  }
0x4b: {  	_ =	swait.ge [sflag:s6], $0x1000  }
0x4c: {  	[sflag:s6] =	ssyncset.done $0x0  }
0x4d: {  	s28 =	sadd.s32 $0x1C00, s30;
	[sflag:s6] =	ssyncadd.s32 $0xFFFFF000  }
0x4e: {  	[hbm4b:s28+s2] =	stream.linear.scatter [tilespmem:s10], [sflag:$0x2], $0x800, $0x38;
	[tilespmem:$0x11000] =	vst v63  }
0x4f: {  	_ =	swait.ge [sflag:s13], $0x800  }
0x50: {  	s31 =	ssub.s32 $0x2, s29;
	[sflag:s13] =	ssyncset.done $0x0  }
0x51: {  	s29 =	sadd.s32 $0x1D00, s30;
	s30 =	sshrl.u32 s31, $0x1;
	[sflag:s13] =	ssyncadd.s32 $0xFFFFF800  }
0x52: {  	s30 =	ssub.s32 s31, s30;
	_ =	swait.ge [sflag:s6], $0x1000  }
0x53: {  	s30 =	smax.u32 s30, $0x1;
	[sflag:s6] =	ssyncset.done $0x0  }
0x54: {  	p0 =	sne.s32 s30, $0x1;
	[sflag:s6] =	ssyncadd.s32 $0xFFFFF000  }
0x55: {  	[hbm4b:s29+s2] =	stream.linear.scatter [tilespmem:s14], [sflag:$0x2], $0x800, $0x38;
	[tilespmem:$0x11000] =	vst v63  }
.Ltmp0:
0x56: {  	_ =	swait.ge [sflag:s13], $0x800;
	(pc) =	sbr.rel @!p0 .LBB2_2-.Ltmp0, $4  }
0x57: {  	[sflag:s13] =	ssyncset.done $0x0  }
0x58: {  	[sflag:s13] =	ssyncadd.s32 $0xFFFFF800  }
0x59: {  	_ =	swait.ge [sflag:s13], $0x800  }
0x5a: {  	s30 =	sadd.s32 $0xFFFFFFFF, s30;
	[sflag:s13] =	ssyncset.done $0x0  }
.LBB2_1:
0x5b: {  	s31 =	rddreg [dreg:$0x4];
	[sflag:s13] =	ssyncadd.s32 $0xFFFFF800  }
0x5c: {  	[spmem:s7], [sflag:s3] =	dma.local [hbm:s31], $0x1000  }
0x5d: {  	[spmem:s5], [sflag:s3] =	dma.local [hbm:s4], $0x1000  }
0x5e: {  	_ =	swait.ge [sflag:s6], $0x1000  }
0x5f: {  	[sflag:s6] =	ssyncset.done $0x0  }
0x60: {  	[sflag:s6] =	ssyncadd.s32 $0xFFFFF000  }
0x61: {  	[hbm4b:s8+s2] =	stream.linear.scatter [tilespmem:s10], [sflag:$0x2], $0x800, $0x38;
	[tilespmem:$0x11000] =	vst v63  }
0x62: {  	[spmem:s7], [sflag:s3] =	dma.local [hbm:s9], $0x1000  }
0x63: {  	_ =	swait.ge [sflag:s6], $0x1000  }
0x64: {  	[sflag:s6] =	ssyncset.done $0x0  }
0x65: {  	[sflag:s6] =	ssyncadd.s32 $0xFFFFF000  }
0x66: {  	[hbm4b:s11+s2] =	stream.linear.scatter [tilespmem:s14], [sflag:$0x2], $0x800, $0x38;
	[tilespmem:$0x11000] =	vst v63  }
0x67: {  	[spmem:s5], [sflag:s3] =	dma.local [hbm:s12], $0x1000  }
0x68: {  	_ =	swait.ge [sflag:s13], $0x800  }
0x69: {  	[sflag:s13] =	ssyncset.done $0x0  }
0x6a: {  	[sflag:s13] =	ssyncadd.s32 $0xFFFFF800  }
0x6b: {  	_ =	swait.ge [sflag:s6], $0x1000  }
0x6c: {  	[sflag:s6] =	ssyncset.done $0x0  }
0x6d: {  	[sflag:s6] =	ssyncadd.s32 $0xFFFFF000  }
0x6e: {  	[hbm4b:s15+s2] =	stream.linear.scatter [tilespmem:s10], [sflag:$0x2], $0x800, $0x38;
	[tilespmem:$0x11000] =	vst v63  }
0x6f: {  	[spmem:s7], [sflag:s3] =	dma.local [hbm:s16], $0x1000  }
0x70: {  	_ =	swait.ge [sflag:s13], $0x800  }
0x71: {  	[sflag:s13] =	ssyncset.done $0x0  }
0x72: {  	[sflag:s13] =	ssyncadd.s32 $0xFFFFF800  }
0x73: {  	_ =	swait.ge [sflag:s6], $0x1000  }
0x74: {  	[sflag:s6] =	ssyncset.done $0x0  }
0x75: {  	[sflag:s6] =	ssyncadd.s32 $0xFFFFF000  }
0x76: {  	[hbm4b:s17+s2] =	stream.linear.scatter [tilespmem:s14], [sflag:$0x2], $0x800, $0x38;
	[tilespmem:$0x11000] =	vst v63  }
0x77: {  	[spmem:s5], [sflag:s3] =	dma.local [hbm:s18], $0x1000  }
0x78: {  	_ =	swait.ge [sflag:s13], $0x800  }
0x79: {  	[sflag:s13] =	ssyncset.done $0x0  }
0x7a: {  	[sflag:s13] =	ssyncadd.s32 $0xFFFFF800  }
0x7b: {  	_ =	swait.ge [sflag:s6], $0x1000  }
0x7c: {  	[sflag:s6] =	ssyncset.done $0x0  }
0x7d: {  	[sflag:s6] =	ssyncadd.s32 $0xFFFFF000  }
0x7e: {  	[hbm4b:s19+s2] =	stream.linear.scatter [tilespmem:s10], [sflag:$0x2], $0x800, $0x38;
	[tilespmem:$0x11000] =	vst v63  }
0x7f: {  	[spmem:s7], [sflag:s3] =	dma.local [hbm:s20], $0x1000  }
0x80: {  	_ =	swait.ge [sflag:s13], $0x800  }
0x81: {  	[sflag:s13] =	ssyncset.done $0x0  }
0x82: {  	[sflag:s13] =	ssyncadd.s32 $0xFFFFF800  }
0x83: {  	_ =	swait.ge [sflag:s6], $0x1000  }
0x84: {  	[sflag:s6] =	ssyncset.done $0x0  }
0x85: {  	[sflag:s6] =	ssyncadd.s32 $0xFFFFF000  }
0x86: {  	[hbm4b:s21+s2] =	stream.linear.scatter [tilespmem:s14], [sflag:$0x2], $0x800, $0x38;
	[tilespmem:$0x11000] =	vst v63  }
0x87: {  	[spmem:s5], [sflag:s3] =	dma.local [hbm:s22], $0x1000  }
0x88: {  	_ =	swait.ge [sflag:s13], $0x800  }
0x89: {  	[sflag:s13] =	ssyncset.done $0x0  }
0x8a: {  	[sflag:s13] =	ssyncadd.s32 $0xFFFFF800  }
0x8b: {  	_ =	swait.ge [sflag:s6], $0x1000  }
0x8c: {  	[sflag:s6] =	ssyncset.done $0x0  }
0x8d: {  	[sflag:s6] =	ssyncadd.s32 $0xFFFFF000  }
0x8e: {  	[hbm4b:s23+s2] =	stream.linear.scatter [tilespmem:s10], [sflag:$0x2], $0x800, $0x38;
	[tilespmem:$0x11000] =	vst v63  }
0x8f: {  	[spmem:s7], [sflag:s3] =	dma.local [hbm:s24], $0x1000  }
0x90: {  	_ =	swait.ge [sflag:s13], $0x800  }
0x91: {  	[sflag:s13] =	ssyncset.done $0x0  }
0x92: {  	[sflag:s13] =	ssyncadd.s32 $0xFFFFF800  }
0x93: {  	_ =	swait.ge [sflag:s6], $0x1000  }
0x94: {  	[sflag:s6] =	ssyncset.done $0x0  }
0x95: {  	[sflag:s6] =	ssyncadd.s32 $0xFFFFF000  }
0x96: {  	[hbm4b:s26+s2] =	stream.linear.scatter [tilespmem:s14], [sflag:$0x2], $0x800, $0x38;
	[tilespmem:$0x11000] =	vst v63  }
0x97: {  	[spmem:s5], [sflag:s3] =	dma.local [hbm:s25], $0x1000  }
0x98: {  	_ =	swait.ge [sflag:s13], $0x800  }
0x99: {  	[sflag:s13] =	ssyncset.done $0x0  }
0x9a: {  	[sflag:s13] =	ssyncadd.s32 $0xFFFFF800  }
0x9b: {  	_ =	swait.ge [sflag:s6], $0x1000  }
0x9c: {  	[sflag:s6] =	ssyncset.done $0x0  }
0x9d: {  	[sflag:s6] =	ssyncadd.s32 $0xFFFFF000  }
0x9e: {  	[hbm4b:s28+s2] =	stream.linear.scatter [tilespmem:s10], [sflag:$0x2], $0x800, $0x38;
	[tilespmem:$0x11000] =	vst v63  }
0x9f: {  	_ =	swait.ge [sflag:s13], $0x800  }
0xa0: {  	[sflag:s13] =	ssyncset.done $0x0  }
0xa1: {  	[sflag:s13] =	ssyncadd.s32 $0xFFFFF800  }
0xa2: {  	_ =	swait.ge [sflag:s6], $0x1000  }
0xa3: {  	[sflag:s6] =	ssyncset.done $0x0  }
0xa4: {  	p0 =	sne.s32 s30, $0x1;
	[sflag:s6] =	ssyncadd.s32 $0xFFFFF000  }
0xa5: {  	[hbm4b:s29+s2] =	stream.linear.scatter [tilespmem:s14], [sflag:$0x2], $0x800, $0x38;
	[tilespmem:$0x11000] =	vst v63  }
.Ltmp1:
0xa6: {  	_ =	swait.ge [sflag:s13], $0x800;
	(pc) =	sbr.rel @p0 .LBB2_1-.Ltmp1, $4  }
0xa7: {  	[sflag:s13] =	ssyncset.done $0x0  }
0xa8: {  	[sflag:s13] =	ssyncadd.s32 $0xFFFFF800  }
0xa9: {  	_ =	swait.ge [sflag:s13], $0x800  }
0xaa: {  	s30 =	sadd.s32 $0xFFFFFFFF, s30;
	[sflag:s13] =	ssyncset.done $0x0  }
.LBB2_2:
0xab: {  	[sflag:s13] =	ssyncadd.s32 $0xFFFFF800  }
0xac: {  	_ =	sfence.sel $0x180000  }
0xad: {  	[bflag:$0x0] =	sbarrier.arrive $0xFFFF  }
0xae: {  	p0 =	sne.s32 s0, $0x0;
	_ =	strace $0x90000047  }
0xaf: {  	s0 =	sadd.s32 @!p0 $0x100000, s1;
	[bflag:$0x2] =	sbarrier.arrive $0xFFFF  }
0xb0: {  	[sflag:s0] =	ssyncadd.tile.s32 @!p0 $0x1;
	_ =	shalt  }
.Lfunc_end2:
_tile_overlayer_lowered:
.L_overlay_start_2:
0xb1: {  	(tag) =	ssettag $0x2  }
0xb2: {  	s0 =	rddreg [dreg:$0x0];
	s2 =	stileid.u32  }
0xb3: {  	s1 =	rddreg [dreg:$0x1];
	p0 =	sne.s32 s2, $0x0  }
0xb4: {  	s3 =	rddreg [dreg:$0x2];
	[bflag:$0x3] =	sbarrier.arrive $0xFFFF;
	s2 =	simm.s32 @!p0 $0x1C03  }
0xb5: {  	[timem:s3], [sflag:s2] =	dma.local @!p0 [hbm:s0], s1  }
0xb6: {  	s0 =	simm.s32 @!p0 $0x3  }
0xb7: {  	_ =	swait.ge @!p0 [sflag:s0], s1  }
0xb8: {  	s1 =	ssub.s32 @!p0 $0x0, s1;
	[sflag:s0] =	ssyncset.done @!p0 $0x0  }
0xb9: {  	[sflag:s0] =	ssyncadd.s32 @!p0 s1  }
0xba: {  	[bflag:$0x3] =	sbarrier.arrive $0xFFFF  }
0xbb: {  	_ =	shalt  }

</sc_bundles>
